<compile_context>
chip_gen: v7x
topology: tpu7x:2x2x1
jax: 0.10.2.dev20260603
libtpu: 0.0.44.dev20260713+nightly
codegen_flags: <defaults>
</compile_context>

<pallas_src>
import functools

import jax
import jax.numpy as jnp
from jax import lax
from jax.experimental import pallas as pl
from jax.experimental.pallas import tpu as pltpu
from jax.experimental.pallas import tpu_sc as plsc

VOCAB = 8192
D = 8192
SEQ = 20
LANES = 128
RPR = D // LANES
NC = 2
NS = 16
NW = NC * NS

NBUF = 10


def _gather_kernel(n_batch: int):
    mesh = plsc.VectorSubcoreMesh(
        core_axis_name="c", subcore_axis_name="s",
        num_cores=NC, num_subcores=NS,
    )
    b_per_w = n_batch // NW
    n_per_w = b_per_w * SEQ
    arows = n_batch // 8

    @functools.partial(
        pl.kernel,
        out_type=jax.ShapeDtypeStruct((SEQ * arows * 512, LANES), jnp.float32),
        mesh=mesh,
        scratch_types=[
            pltpu.VMEM((n_per_w, RPR), jnp.int32),
            pltpu.VMEM((NBUF, RPR), jnp.int32),
            pltpu.VMEM((NBUF, RPR, LANES), jnp.float32),
            pltpu.SemaphoreType.DMA((NBUF,)),
            pltpu.SemaphoreType.DMA((NBUF,)),
        ],
        compiler_params=pltpu.CompilerParams(use_tc_tiling_on_sc=False),
    )
    def kern(gidx_hbm, tab_hbm, out_hbm, gidx_v, sidx_v, rows_v, gsem, ssem):
        wid = lax.axis_index("s") * NC + lax.axis_index("c")
        cbase = wid * n_per_w
        wb64 = wid * b_per_w * RPR
        pltpu.sync_copy(gidx_hbm.at[pl.ds(cbase, n_per_w)], gidx_v)

        iota16 = lax.iota(jnp.int32, 16)

        def start_gather(g, slot):
            pltpu.async_copy(
                tab_hbm.at[gidx_v.at[g]], rows_v.at[slot], gsem.at[slot]
            )

        def fill_sidx(g, slot):
            s = g // SEQ_BLK
            b_local = lax.rem(g, SEQ_BLK)
            sbase = (
                s * (arows * 512)
                + wb64
                + (b_local // 8) * 512
                + lax.rem(b_local, 8)
            )
            vec = jnp.full((16,), sbase, jnp.int32) + 8 * iota16
            for j in range(RPR // 16):
                sidx_v[slot, pl.ds(j * 16, 16)] = vec + j * 128

        def start_store(g, slot):
            pltpu.async_copy(
                rows_v.at[slot], out_hbm.at[sidx_v.at[slot]], ssem.at[slot]
            )

        def wait_gather(slot):
            pltpu.make_async_copy(
                tab_hbm.at[gidx_v.at[0]], rows_v.at[slot], gsem.at[slot]
            ).wait()

        def wait_store(slot):
            pltpu.make_async_copy(
                rows_v.at[slot], out_hbm.at[sidx_v.at[0]], ssem.at[slot]
            ).wait()

        for j in range(NBUF - 1):
            start_gather(j, j)

        def body(g, _):
            slot = lax.rem(g, NBUF)
            wait_gather(slot)
            fill_sidx(g, slot)
            start_store(g, slot)
            ng = g + NBUF - 1

            @pl.when(ng < n_per_w)
            def _():
                pslot = lax.rem(ng, NBUF)
                @pl.when(g >= 1)
                def _():
                    wait_store(pslot)

                start_gather(ng, pslot)

            return 0

        lax.fori_loop(0, n_per_w, body, 0)

        def drain(g, _):
            wait_store(lax.rem(g, NBUF))
            return 0

        lax.fori_loop(n_per_w - NBUF, n_per_w, drain, 0)

    return kern


SEQ_BLK = 32


def kernel(x, table):
    b, s = x.shape

    xi = x.astype(jnp.int32)
    xv = xi.reshape(NW, b // NW, s).transpose(0, 2, 1)
    base_run = (xv // 8) * (RPR * 8) + (xv % 8)
    c64 = 8 * jnp.arange(RPR, dtype=jnp.int32)
    gidx = base_run[..., None] + c64
    gidx = gidx.reshape(NW * b // NW * s, RPR)

    tabv = (
        table.reshape(VOCAB // 8, 8, D // LANES, LANES)
        .transpose(0, 2, 1, 3)
        .reshape(VOCAB * D // LANES, LANES)
    )

    out = _gather_kernel(b)(gidx, tabv)
    return (
        out.reshape(s, b // 8, D // LANES, 8, LANES)
        .transpose(1, 3, 0, 2, 4)
        .reshape(b, s, D)
    )

# --- scband reference (transcript-rebuilt; emitter-appended) ---
"""Pipeline reference for scband-bigram-30099130810814 (READ-ONLY COPY).

The authoritative reference and input builder live on the scoring server;
editing this copy changes nothing except your own understanding.
"""

import jax, jax.numpy as jnp
import numpy as np

VOCAB = 8192
BATCH = 1024
SEQ = 20

def setup_inputs(seed: int = 0) -> dict:
    key = jax.random.key(seed)
    k_idx, k_tab = jax.random.split(key)
    x = jax.random.randint(k_idx, (BATCH, SEQ), 0, VOCAB, dtype=jnp.int64)
    table = jax.random.normal(k_tab, (VOCAB, VOCAB), dtype=jnp.float32)
    return {"x": x, "table": table}

def reference(x, table):
    # nn.Embedding lookup: gather rows of the bigram table
    return jnp.take(table, x, axis=0)

if __name__ == "__main__":
    import jax
    _d = setup_inputs()
    print(jax.jit(kernel)(*tuple(_d.values())))

</pallas_src>

<mosaic_0001>
#map = affine_map<(d0, d1) -> (0, 0)>
module attributes {stable_mosaic.version = 14 : i64} {
  func.func @kern(%arg0: i32, %arg1: i32, %arg2: memref<20480x64xi32, #tpu.memory_space<hbm>>, %arg3: memref<524288x128xf32, #tpu.memory_space<hbm>>, %arg4: memref<1310720x128xf32, #tpu.memory_space<hbm>>, %arg5: memref<640x64xi32, #tpu.memory_space<vmem>>, %arg6: memref<10x64xi32, #tpu.memory_space<vmem>>, %arg7: memref<10x64x128xf32, #tpu.memory_space<vmem>>, %arg8: memref<10x!tpu.dma_semaphore, #tpu.memory_space<semaphore_mem>>, %arg9: memref<10x!tpu.dma_semaphore, #tpu.memory_space<semaphore_mem>>) attributes {dimension_semantics = [#tpu.dimension_semantics<core_parallel>, #tpu.dimension_semantics<subcore_parallel>], iteration_bounds = array<i64: 2, 16>, scalar_prefetch = 0 : i64, scratch_operands = 5 : i64, tpu.core_type = #tpu.core_type<sc_vector_subcore>, window_params = [{transform_indices = #map}, {transform_indices = #map}, {transform_indices = #map}]} {
    %mul3A = arith.constant 2 : i32
    %mul3A_0 = arith.muli %arg1, %mul3A : i32
    %add3A = arith.addi %mul3A_0, %arg0 : i32
    %mul3A_1 = arith.constant 640 : i32
    %mul3A_2 = arith.muli %add3A, %mul3A_1 : i32
    %mul3A_3 = arith.constant 32 : i32
    %mul3A_4 = arith.muli %add3A, %mul3A_3 : i32
    %mul3A_5 = arith.constant 64 : i32
    %mul3A_6 = arith.muli %mul3A_4, %mul3A_5 : i32
    "tpu.region"() ({
      %run_scoped3A = tpu.sem_alloc : memref<!tpu.dma_semaphore, #tpu.memory_space<semaphore_mem>>
      %dma_start3A_154 = arith.constant 0 : i32
      %dma_start3A_155 = tpu.memref_slice %arg2[%mul3A_2, %dma_start3A_154] : memref<20480x64xi32, #tpu.memory_space<hbm>> -> memref<640x64xi32, #tpu.memory_space<hbm>>
      %dma_start3A_156 = arith.constant 0 : i32
      %dma_start3A_157 = tpu.memref_slice %arg2[%mul3A_2, %dma_start3A_156] : memref<20480x64xi32, #tpu.memory_space<hbm>> -> memref<640x64xi32, #tpu.memory_space<hbm>>
      tpu.enqueue_dma source(%dma_start3A_157 : memref<640x64xi32, #tpu.memory_space<hbm>>) target(%arg5 : memref<640x64xi32, #tpu.memory_space<vmem>>) target_semaphore(%run_scoped3A : memref<!tpu.dma_semaphore, #tpu.memory_space<semaphore_mem>>)
      %dma_wait3A = arith.constant 0 : i32
      %dma_wait3A_158 = tpu.memref_slice %arg2[%mul3A_2, %dma_wait3A] : memref<20480x64xi32, #tpu.memory_space<hbm>> -> memref<640x64xi32, #tpu.memory_space<hbm>>
      %dma_wait3A_159 = arith.constant 0 : i32
      %dma_wait3A_160 = tpu.memref_slice %arg2[%mul3A_2, %dma_wait3A_159] : memref<20480x64xi32, #tpu.memory_space<hbm>> -> memref<640x64xi32, #tpu.memory_space<hbm>>
      tpu.wait_dma2 semaphore(%run_scoped3A : memref<!tpu.dma_semaphore, #tpu.memory_space<semaphore_mem>>) src(%dma_wait3A_160 : memref<640x64xi32, #tpu.memory_space<hbm>>) dst(%arg5 : memref<640x64xi32, #tpu.memory_space<vmem>>)
      tpu.yield
    }) : () -> ()
    %iota3A = tpu.iota {dimensions = array<i32: 0>} : vector<16xi32>
    %dma_start3A = arith.constant 0 : i32
    %dma_start3A_7 = arith.constant 0 : i32
    %dma_start3A_8 = arith.constant 0 : i32
    %dma_start3A_9 = arith.constant 0 : i32
    %dma_start3A_10 = arith.constant 0 : i32
    %dma_start3A_11 = tpu.memref_slice %arg7[%dma_start3A_7, %dma_start3A_9, %dma_start3A_10] : memref<10x64x128xf32, #tpu.memory_space<vmem>> -> memref<1x64x128xf32, #tpu.memory_space<vmem>>
    %dma_start3A_12 = tpu.memref_squeeze %dma_start3A_11 : memref<1x64x128xf32, #tpu.memory_space<vmem>> -> memref<64x128xf32, #tpu.memory_space<vmem>>
    %dma_start3A_13 = arith.constant 0 : i32
    %dma_start3A_14 = tpu.memref_slice %arg5[%dma_start3A, %dma_start3A_13] : memref<640x64xi32, #tpu.memory_space<vmem>> -> memref<1x64xi32, #tpu.memory_space<vmem>>
    %dma_start3A_15 = tpu.memref_squeeze %dma_start3A_14 : memref<1x64xi32, #tpu.memory_space<vmem>> -> memref<64xi32, #tpu.memory_space<vmem>>
    %dma_start3A_16 = arith.constant 0 : i32
    %dma_start3A_17 = arith.constant 0 : i32
    %dma_start3A_18 = tpu.memref_slice %arg3[%dma_start3A_16, %dma_start3A_17] : memref<524288x128xf32, #tpu.memory_space<hbm>> -> memref<524288x128xf32, #tpu.memory_space<hbm>>
    %dma_start3A_19 = tpu.memref_slice %arg8[%dma_start3A_8] : memref<10x!tpu.dma_semaphore, #tpu.memory_space<semaphore_mem>> -> memref<1x!tpu.dma_semaphore, #tpu.memory_space<semaphore_mem>>
    %dma_start3A_20 = tpu.memref_squeeze %dma_start3A_19 : memref<1x!tpu.dma_semaphore, #tpu.memory_space<semaphore_mem>> -> memref<!tpu.dma_semaphore, #tpu.memory_space<semaphore_mem>>
    tpu.enqueue_indirect_dma source(%dma_start3A_18 : memref<524288x128xf32, #tpu.memory_space<hbm>>) target(%dma_start3A_12 : memref<64x128xf32, #tpu.memory_space<vmem>>) offsets(%dma_start3A_15 : memref<64xi32, #tpu.memory_space<vmem>>) semaphore(%dma_start3A_20 : memref<!tpu.dma_semaphore, #tpu.memory_space<semaphore_mem>>)
    %dma_start3A_21 = arith.constant 1 : i32
    %dma_start3A_22 = arith.constant 1 : i32
    %dma_start3A_23 = arith.constant 1 : i32
    %dma_start3A_24 = arith.constant 0 : i32
    %dma_start3A_25 = arith.constant 0 : i32
    %dma_start3A_26 = tpu.memref_slice %arg7[%dma_start3A_22, %dma_start3A_24, %dma_start3A_25] : memref<10x64x128xf32, #tpu.memory_space<vmem>> -> memref<1x64x128xf32, #tpu.memory_space<vmem>>
    %dma_start3A_27 = tpu.memref_squeeze %dma_start3A_26 : memref<1x64x128xf32, #tpu.memory_space<vmem>> -> memref<64x128xf32, #tpu.memory_space<vmem>>
    %dma_start3A_28 = arith.constant 0 : i32
    %dma_start3A_29 = tpu.memref_slice %arg5[%dma_start3A_21, %dma_start3A_28] : memref<640x64xi32, #tpu.memory_space<vmem>> -> memref<1x64xi32, #tpu.memory_space<vmem>>
    %dma_start3A_30 = tpu.memref_squeeze %dma_start3A_29 : memref<1x64xi32, #tpu.memory_space<vmem>> -> memref<64xi32, #tpu.memory_space<vmem>>
    %dma_start3A_31 = arith.constant 0 : i32
    %dma_start3A_32 = arith.constant 0 : i32
    %dma_start3A_33 = tpu.memref_slice %arg3[%dma_start3A_31, %dma_start3A_32] : memref<524288x128xf32, #tpu.memory_space<hbm>> -> memref<524288x128xf32, #tpu.memory_space<hbm>>
    %dma_start3A_34 = tpu.memref_slice %arg8[%dma_start3A_23] : memref<10x!tpu.dma_semaphore, #tpu.memory_space<semaphore_mem>> -> memref<1x!tpu.dma_semaphore, #tpu.memory_space<semaphore_mem>>
    %dma_start3A_35 = tpu.memref_squeeze %dma_start3A_34 : memref<1x!tpu.dma_semaphore, #tpu.memory_space<semaphore_mem>> -> memref<!tpu.dma_semaphore, #tpu.memory_space<semaphore_mem>>
    tpu.enqueue_indirect_dma source(%dma_start3A_33 : memref<524288x128xf32, #tpu.memory_space<hbm>>) target(%dma_start3A_27 : memref<64x128xf32, #tpu.memory_space<vmem>>) offsets(%dma_start3A_30 : memref<64xi32, #tpu.memory_space<vmem>>) semaphore(%dma_start3A_35 : memref<!tpu.dma_semaphore, #tpu.memory_space<semaphore_mem>>)
    %dma_start3A_36 = arith.constant 2 : i32
    %dma_start3A_37 = arith.constant 2 : i32
    %dma_start3A_38 = arith.constant 2 : i32
    %dma_start3A_39 = arith.constant 0 : i32
    %dma_start3A_40 = arith.constant 0 : i32
    %dma_start3A_41 = tpu.memref_slice %arg7[%dma_start3A_37, %dma_start3A_39, %dma_start3A_40] : memref<10x64x128xf32, #tpu.memory_space<vmem>> -> memref<1x64x128xf32, #tpu.memory_space<vmem>>
    %dma_start3A_42 = tpu.memref_squeeze %dma_start3A_41 : memref<1x64x128xf32, #tpu.memory_space<vmem>> -> memref<64x128xf32, #tpu.memory_space<vmem>>
    %dma_start3A_43 = arith.constant 0 : i32
    %dma_start3A_44 = tpu.memref_slice %arg5[%dma_start3A_36, %dma_start3A_43] : memref<640x64xi32, #tpu.memory_space<vmem>> -> memref<1x64xi32, #tpu.memory_space<vmem>>
    %dma_start3A_45 = tpu.memref_squeeze %dma_start3A_44 : memref<1x64xi32, #tpu.memory_space<vmem>> -> memref<64xi32, #tpu.memory_space<vmem>>
    %dma_start3A_46 = arith.constant 0 : i32
    %dma_start3A_47 = arith.constant 0 : i32
    %dma_start3A_48 = tpu.memref_slice %arg3[%dma_start3A_46, %dma_start3A_47] : memref<524288x128xf32, #tpu.memory_space<hbm>> -> memref<524288x128xf32, #tpu.memory_space<hbm>>
    %dma_start3A_49 = tpu.memref_slice %arg8[%dma_start3A_38] : memref<10x!tpu.dma_semaphore, #tpu.memory_space<semaphore_mem>> -> memref<1x!tpu.dma_semaphore, #tpu.memory_space<semaphore_mem>>
    %dma_start3A_50 = tpu.memref_squeeze %dma_start3A_49 : memref<1x!tpu.dma_semaphore, #tpu.memory_space<semaphore_mem>> -> memref<!tpu.dma_semaphore, #tpu.memory_space<semaphore_mem>>
    tpu.enqueue_indirect_dma source(%dma_start3A_48 : memref<524288x128xf32, #tpu.memory_space<hbm>>) target(%dma_start3A_42 : memref<64x128xf32, #tpu.memory_space<vmem>>) offsets(%dma_start3A_45 : memref<64xi32, #tpu.memory_space<vmem>>) semaphore(%dma_start3A_50 : memref<!tpu.dma_semaphore, #tpu.memory_space<semaphore_mem>>)
    %dma_start3A_51 = arith.constant 3 : i32
    %dma_start3A_52 = arith.constant 3 : i32
    %dma_start3A_53 = arith.constant 3 : i32
    %dma_start3A_54 = arith.constant 0 : i32
    %dma_start3A_55 = arith.constant 0 : i32
    %dma_start3A_56 = tpu.memref_slice %arg7[%dma_start3A_52, %dma_start3A_54, %dma_start3A_55] : memref<10x64x128xf32, #tpu.memory_space<vmem>> -> memref<1x64x128xf32, #tpu.memory_space<vmem>>
    %dma_start3A_57 = tpu.memref_squeeze %dma_start3A_56 : memref<1x64x128xf32, #tpu.memory_space<vmem>> -> memref<64x128xf32, #tpu.memory_space<vmem>>
    %dma_start3A_58 = arith.constant 0 : i32
    %dma_start3A_59 = tpu.memref_slice %arg5[%dma_start3A_51, %dma_start3A_58] : memref<640x64xi32, #tpu.memory_space<vmem>> -> memref<1x64xi32, #tpu.memory_space<vmem>>
    %dma_start3A_60 = tpu.memref_squeeze %dma_start3A_59 : memref<1x64xi32, #tpu.memory_space<vmem>> -> memref<64xi32, #tpu.memory_space<vmem>>
    %dma_start3A_61 = arith.constant 0 : i32
    %dma_start3A_62 = arith.constant 0 : i32
    %dma_start3A_63 = tpu.memref_slice %arg3[%dma_start3A_61, %dma_start3A_62] : memref<524288x128xf32, #tpu.memory_space<hbm>> -> memref<524288x128xf32, #tpu.memory_space<hbm>>
    %dma_start3A_64 = tpu.memref_slice %arg8[%dma_start3A_53] : memref<10x!tpu.dma_semaphore, #tpu.memory_space<semaphore_mem>> -> memref<1x!tpu.dma_semaphore, #tpu.memory_space<semaphore_mem>>
    %dma_start3A_65 = tpu.memref_squeeze %dma_start3A_64 : memref<1x!tpu.dma_semaphore, #tpu.memory_space<semaphore_mem>> -> memref<!tpu.dma_semaphore, #tpu.memory_space<semaphore_mem>>
    tpu.enqueue_indirect_dma source(%dma_start3A_63 : memref<524288x128xf32, #tpu.memory_space<hbm>>) target(%dma_start3A_57 : memref<64x128xf32, #tpu.memory_space<vmem>>) offsets(%dma_start3A_60 : memref<64xi32, #tpu.memory_space<vmem>>) semaphore(%dma_start3A_65 : memref<!tpu.dma_semaphore, #tpu.memory_space<semaphore_mem>>)
    %dma_start3A_66 = arith.constant 4 : i32
    %dma_start3A_67 = arith.constant 4 : i32
    %dma_start3A_68 = arith.constant 4 : i32
    %dma_start3A_69 = arith.constant 0 : i32
    %dma_start3A_70 = arith.constant 0 : i32
    %dma_start3A_71 = tpu.memref_slice %arg7[%dma_start3A_67, %dma_start3A_69, %dma_start3A_70] : memref<10x64x128xf32, #tpu.memory_space<vmem>> -> memref<1x64x128xf32, #tpu.memory_space<vmem>>
    %dma_start3A_72 = tpu.memref_squeeze %dma_start3A_71 : memref<1x64x128xf32, #tpu.memory_space<vmem>> -> memref<64x128xf32, #tpu.memory_space<vmem>>
    %dma_start3A_73 = arith.constant 0 : i32
    %dma_start3A_74 = tpu.memref_slice %arg5[%dma_start3A_66, %dma_start3A_73] : memref<640x64xi32, #tpu.memory_space<vmem>> -> memref<1x64xi32, #tpu.memory_space<vmem>>
    %dma_start3A_75 = tpu.memref_squeeze %dma_start3A_74 : memref<1x64xi32, #tpu.memory_space<vmem>> -> memref<64xi32, #tpu.memory_space<vmem>>
    %dma_start3A_76 = arith.constant 0 : i32
    %dma_start3A_77 = arith.constant 0 : i32
    %dma_start3A_78 = tpu.memref_slice %arg3[%dma_start3A_76, %dma_start3A_77] : memref<524288x128xf32, #tpu.memory_space<hbm>> -> memref<524288x128xf32, #tpu.memory_space<hbm>>
    %dma_start3A_79 = tpu.memref_slice %arg8[%dma_start3A_68] : memref<10x!tpu.dma_semaphore, #tpu.memory_space<semaphore_mem>> -> memref<1x!tpu.dma_semaphore, #tpu.memory_space<semaphore_mem>>
    %dma_start3A_80 = tpu.memref_squeeze %dma_start3A_79 : memref<1x!tpu.dma_semaphore, #tpu.memory_space<semaphore_mem>> -> memref<!tpu.dma_semaphore, #tpu.memory_space<semaphore_mem>>
    tpu.enqueue_indirect_dma source(%dma_start3A_78 : memref<524288x128xf32, #tpu.memory_space<hbm>>) target(%dma_start3A_72 : memref<64x128xf32, #tpu.memory_space<vmem>>) offsets(%dma_start3A_75 : memref<64xi32, #tpu.memory_space<vmem>>) semaphore(%dma_start3A_80 : memref<!tpu.dma_semaphore, #tpu.memory_space<semaphore_mem>>)
    %dma_start3A_81 = arith.constant 5 : i32
    %dma_start3A_82 = arith.constant 5 : i32
    %dma_start3A_83 = arith.constant 5 : i32
    %dma_start3A_84 = arith.constant 0 : i32
    %dma_start3A_85 = arith.constant 0 : i32
    %dma_start3A_86 = tpu.memref_slice %arg7[%dma_start3A_82, %dma_start3A_84, %dma_start3A_85] : memref<10x64x128xf32, #tpu.memory_space<vmem>> -> memref<1x64x128xf32, #tpu.memory_space<vmem>>
    %dma_start3A_87 = tpu.memref_squeeze %dma_start3A_86 : memref<1x64x128xf32, #tpu.memory_space<vmem>> -> memref<64x128xf32, #tpu.memory_space<vmem>>
    %dma_start3A_88 = arith.constant 0 : i32
    %dma_start3A_89 = tpu.memref_slice %arg5[%dma_start3A_81, %dma_start3A_88] : memref<640x64xi32, #tpu.memory_space<vmem>> -> memref<1x64xi32, #tpu.memory_space<vmem>>
    %dma_start3A_90 = tpu.memref_squeeze %dma_start3A_89 : memref<1x64xi32, #tpu.memory_space<vmem>> -> memref<64xi32, #tpu.memory_space<vmem>>
    %dma_start3A_91 = arith.constant 0 : i32
    %dma_start3A_92 = arith.constant 0 : i32
    %dma_start3A_93 = tpu.memref_slice %arg3[%dma_start3A_91, %dma_start3A_92] : memref<524288x128xf32, #tpu.memory_space<hbm>> -> memref<524288x128xf32, #tpu.memory_space<hbm>>
    %dma_start3A_94 = tpu.memref_slice %arg8[%dma_start3A_83] : memref<10x!tpu.dma_semaphore, #tpu.memory_space<semaphore_mem>> -> memref<1x!tpu.dma_semaphore, #tpu.memory_space<semaphore_mem>>
    %dma_start3A_95 = tpu.memref_squeeze %dma_start3A_94 : memref<1x!tpu.dma_semaphore, #tpu.memory_space<semaphore_mem>> -> memref<!tpu.dma_semaphore, #tpu.memory_space<semaphore_mem>>
    tpu.enqueue_indirect_dma source(%dma_start3A_93 : memref<524288x128xf32, #tpu.memory_space<hbm>>) target(%dma_start3A_87 : memref<64x128xf32, #tpu.memory_space<vmem>>) offsets(%dma_start3A_90 : memref<64xi32, #tpu.memory_space<vmem>>) semaphore(%dma_start3A_95 : memref<!tpu.dma_semaphore, #tpu.memory_space<semaphore_mem>>)
    %dma_start3A_96 = arith.constant 6 : i32
    %dma_start3A_97 = arith.constant 6 : i32
    %dma_start3A_98 = arith.constant 6 : i32
    %dma_start3A_99 = arith.constant 0 : i32
    %dma_start3A_100 = arith.constant 0 : i32
    %dma_start3A_101 = tpu.memref_slice %arg7[%dma_start3A_97, %dma_start3A_99, %dma_start3A_100] : memref<10x64x128xf32, #tpu.memory_space<vmem>> -> memref<1x64x128xf32, #tpu.memory_space<vmem>>
    %dma_start3A_102 = tpu.memref_squeeze %dma_start3A_101 : memref<1x64x128xf32, #tpu.memory_space<vmem>> -> memref<64x128xf32, #tpu.memory_space<vmem>>
    %dma_start3A_103 = arith.constant 0 : i32
    %dma_start3A_104 = tpu.memref_slice %arg5[%dma_start3A_96, %dma_start3A_103] : memref<640x64xi32, #tpu.memory_space<vmem>> -> memref<1x64xi32, #tpu.memory_space<vmem>>
    %dma_start3A_105 = tpu.memref_squeeze %dma_start3A_104 : memref<1x64xi32, #tpu.memory_space<vmem>> -> memref<64xi32, #tpu.memory_space<vmem>>
    %dma_start3A_106 = arith.constant 0 : i32
    %dma_start3A_107 = arith.constant 0 : i32
    %dma_start3A_108 = tpu.memref_slice %arg3[%dma_start3A_106, %dma_start3A_107] : memref<524288x128xf32, #tpu.memory_space<hbm>> -> memref<524288x128xf32, #tpu.memory_space<hbm>>
    %dma_start3A_109 = tpu.memref_slice %arg8[%dma_start3A_98] : memref<10x!tpu.dma_semaphore, #tpu.memory_space<semaphore_mem>> -> memref<1x!tpu.dma_semaphore, #tpu.memory_space<semaphore_mem>>
    %dma_start3A_110 = tpu.memref_squeeze %dma_start3A_109 : memref<1x!tpu.dma_semaphore, #tpu.memory_space<semaphore_mem>> -> memref<!tpu.dma_semaphore, #tpu.memory_space<semaphore_mem>>
    tpu.enqueue_indirect_dma source(%dma_start3A_108 : memref<524288x128xf32, #tpu.memory_space<hbm>>) target(%dma_start3A_102 : memref<64x128xf32, #tpu.memory_space<vmem>>) offsets(%dma_start3A_105 : memref<64xi32, #tpu.memory_space<vmem>>) semaphore(%dma_start3A_110 : memref<!tpu.dma_semaphore, #tpu.memory_space<semaphore_mem>>)
    %dma_start3A_111 = arith.constant 7 : i32
    %dma_start3A_112 = arith.constant 7 : i32
    %dma_start3A_113 = arith.constant 7 : i32
    %dma_start3A_114 = arith.constant 0 : i32
    %dma_start3A_115 = arith.constant 0 : i32
    %dma_start3A_116 = tpu.memref_slice %arg7[%dma_start3A_112, %dma_start3A_114, %dma_start3A_115] : memref<10x64x128xf32, #tpu.memory_space<vmem>> -> memref<1x64x128xf32, #tpu.memory_space<vmem>>
    %dma_start3A_117 = tpu.memref_squeeze %dma_start3A_116 : memref<1x64x128xf32, #tpu.memory_space<vmem>> -> memref<64x128xf32, #tpu.memory_space<vmem>>
    %dma_start3A_118 = arith.constant 0 : i32
    %dma_start3A_119 = tpu.memref_slice %arg5[%dma_start3A_111, %dma_start3A_118] : memref<640x64xi32, #tpu.memory_space<vmem>> -> memref<1x64xi32, #tpu.memory_space<vmem>>
    %dma_start3A_120 = tpu.memref_squeeze %dma_start3A_119 : memref<1x64xi32, #tpu.memory_space<vmem>> -> memref<64xi32, #tpu.memory_space<vmem>>
    %dma_start3A_121 = arith.constant 0 : i32
    %dma_start3A_122 = arith.constant 0 : i32
    %dma_start3A_123 = tpu.memref_slice %arg3[%dma_start3A_121, %dma_start3A_122] : memref<524288x128xf32, #tpu.memory_space<hbm>> -> memref<524288x128xf32, #tpu.memory_space<hbm>>
    %dma_start3A_124 = tpu.memref_slice %arg8[%dma_start3A_113] : memref<10x!tpu.dma_semaphore, #tpu.memory_space<semaphore_mem>> -> memref<1x!tpu.dma_semaphore, #tpu.memory_space<semaphore_mem>>
    %dma_start3A_125 = tpu.memref_squeeze %dma_start3A_124 : memref<1x!tpu.dma_semaphore, #tpu.memory_space<semaphore_mem>> -> memref<!tpu.dma_semaphore, #tpu.memory_space<semaphore_mem>>
    tpu.enqueue_indirect_dma source(%dma_start3A_123 : memref<524288x128xf32, #tpu.memory_space<hbm>>) target(%dma_start3A_117 : memref<64x128xf32, #tpu.memory_space<vmem>>) offsets(%dma_start3A_120 : memref<64xi32, #tpu.memory_space<vmem>>) semaphore(%dma_start3A_125 : memref<!tpu.dma_semaphore, #tpu.memory_space<semaphore_mem>>)
    %dma_start3A_126 = arith.constant 8 : i32
    %dma_start3A_127 = arith.constant 8 : i32
    %dma_start3A_128 = arith.constant 8 : i32
    %dma_start3A_129 = arith.constant 0 : i32
    %dma_start3A_130 = arith.constant 0 : i32
    %dma_start3A_131 = tpu.memref_slice %arg7[%dma_start3A_127, %dma_start3A_129, %dma_start3A_130] : memref<10x64x128xf32, #tpu.memory_space<vmem>> -> memref<1x64x128xf32, #tpu.memory_space<vmem>>
    %dma_start3A_132 = tpu.memref_squeeze %dma_start3A_131 : memref<1x64x128xf32, #tpu.memory_space<vmem>> -> memref<64x128xf32, #tpu.memory_space<vmem>>
    %dma_start3A_133 = arith.constant 0 : i32
    %dma_start3A_134 = tpu.memref_slice %arg5[%dma_start3A_126, %dma_start3A_133] : memref<640x64xi32, #tpu.memory_space<vmem>> -> memref<1x64xi32, #tpu.memory_space<vmem>>
    %dma_start3A_135 = tpu.memref_squeeze %dma_start3A_134 : memref<1x64xi32, #tpu.memory_space<vmem>> -> memref<64xi32, #tpu.memory_space<vmem>>
    %dma_start3A_136 = arith.constant 0 : i32
    %dma_start3A_137 = arith.constant 0 : i32
    %dma_start3A_138 = tpu.memref_slice %arg3[%dma_start3A_136, %dma_start3A_137] : memref<524288x128xf32, #tpu.memory_space<hbm>> -> memref<524288x128xf32, #tpu.memory_space<hbm>>
    %dma_start3A_139 = tpu.memref_slice %arg8[%dma_start3A_128] : memref<10x!tpu.dma_semaphore, #tpu.memory_space<semaphore_mem>> -> memref<1x!tpu.dma_semaphore, #tpu.memory_space<semaphore_mem>>
    %dma_start3A_140 = tpu.memref_squeeze %dma_start3A_139 : memref<1x!tpu.dma_semaphore, #tpu.memory_space<semaphore_mem>> -> memref<!tpu.dma_semaphore, #tpu.memory_space<semaphore_mem>>
    tpu.enqueue_indirect_dma source(%dma_start3A_138 : memref<524288x128xf32, #tpu.memory_space<hbm>>) target(%dma_start3A_132 : memref<64x128xf32, #tpu.memory_space<vmem>>) offsets(%dma_start3A_135 : memref<64xi32, #tpu.memory_space<vmem>>) semaphore(%dma_start3A_140 : memref<!tpu.dma_semaphore, #tpu.memory_space<semaphore_mem>>)
    %scan3A = arith.constant 0 : i32
    %scan3A_141 = arith.constant 0 : i32
    %scan3A_142 = arith.constant 640 : i32
    %scan3A_143 = arith.addi %scan3A_141, %scan3A_142 : i32
    %scan3A_144 = arith.constant 1 : i32
    %scan3A_145 = scf.for %scan3A_154 = %scan3A_141 to %scan3A_143 step %scan3A_144 iter_args(%scan3A_155 = %scan3A) -> (i32)  : i32 {
      %rem3A = arith.constant 10 : i32
      %rem3A_156 = arith.remsi %scan3A_154, %rem3A : i32
      %dma_wait3A = arith.constant 0 : i32
      %dma_wait3A_157 = arith.constant 0 : i32
      %dma_wait3A_158 = arith.constant 0 : i32
      %dma_wait3A_159 = tpu.memref_slice %arg7[%rem3A_156, %dma_wait3A_157, %dma_wait3A_158] : memref<10x64x128xf32, #tpu.memory_space<vmem>> -> memref<1x64x128xf32, #tpu.memory_space<vmem>>
      %dma_wait3A_160 = tpu.memref_squeeze %dma_wait3A_159 : memref<1x64x128xf32, #tpu.memory_space<vmem>> -> memref<64x128xf32, #tpu.memory_space<vmem>>
      %dma_wait3A_161 = arith.constant 0 : i32
      %dma_wait3A_162 = tpu.memref_slice %arg5[%dma_wait3A, %dma_wait3A_161] : memref<640x64xi32, #tpu.memory_space<vmem>> -> memref<1x64xi32, #tpu.memory_space<vmem>>
      %dma_wait3A_163 = tpu.memref_squeeze %dma_wait3A_162 : memref<1x64xi32, #tpu.memory_space<vmem>> -> memref<64xi32, #tpu.memory_space<vmem>>
      %dma_wait3A_164 = arith.constant 0 : i32
      %dma_wait3A_165 = arith.constant 0 : i32
      %dma_wait3A_166 = tpu.memref_slice %arg3[%dma_wait3A_164, %dma_wait3A_165] : memref<524288x128xf32, #tpu.memory_space<hbm>> -> memref<524288x128xf32, #tpu.memory_space<hbm>>
      %dma_wait3A_167 = tpu.memref_slice %arg8[%rem3A_156] : memref<10x!tpu.dma_semaphore, #tpu.memory_space<semaphore_mem>> -> memref<1x!tpu.dma_semaphore, #tpu.memory_space<semaphore_mem>>
      %dma_wait3A_168 = tpu.memref_squeeze %dma_wait3A_167 : memref<1x!tpu.dma_semaphore, #tpu.memory_space<semaphore_mem>> -> memref<!tpu.dma_semaphore, #tpu.memory_space<semaphore_mem>>
      tpu.wait_indirect_dma semaphore(%dma_wait3A_168 : memref<!tpu.dma_semaphore, #tpu.memory_space<semaphore_mem>>) src(%dma_wait3A_166 : memref<524288x128xf32, #tpu.memory_space<hbm>>) dst(%dma_wait3A_160 : memref<64x128xf32, #tpu.memory_space<vmem>>)
      %jit3A = arith.constant 32 : i32
      %div3A = arith.divsi %scan3A_154, %jit3A : i32
      %sign3A = arith.constant 0 : i32
      %sign3A_169 = arith.cmpi sgt, %scan3A_154, %sign3A : i32
      %sign3A_170 = arith.extui %sign3A_169 : i1 to i32
      %sign3A_171 = arith.constant 0 : i32
      %sign3A_172 = arith.cmpi slt, %scan3A_154, %sign3A_171 : i32
      %sign3A_173 = arith.extui %sign3A_172 : i1 to i32
      %sign3A_174 = arith.subi %sign3A_170, %sign3A_173 : i32
      %sign3A_175 = arith.constant 0 : i32
      %sign3A_176 = arith.cmpi sgt, %jit3A, %sign3A_175 : i32
      %sign3A_177 = arith.extui %sign3A_176 : i1 to i32
      %sign3A_178 = arith.constant 0 : i32
      %sign3A_179 = arith.cmpi slt, %jit3A, %sign3A_178 : i32
      %sign3A_180 = arith.extui %sign3A_179 : i1 to i32
      %sign3A_181 = arith.subi %sign3A_177, %sign3A_180 : i32
      %ne3A = arith.cmpi ne, %sign3A_174, %sign3A_181 : i32
      %rem3A_182 = arith.remsi %scan3A_154, %jit3A : i32
      %ne3A_183 = arith.constant 0 : i32
      %ne3A_184 = arith.cmpi ne, %rem3A_182, %ne3A_183 : i32
      %and3A = arith.andi %ne3A, %ne3A_184 : i1
      %sub3A = arith.constant 1 : i32
      %sub3A_185 = arith.subi %div3A, %sub3A : i32
      %select_n3A = arith.select %and3A, %sub3A_185, %div3A : i32
      %rem3A_186 = arith.constant 32 : i32
      %rem3A_187 = arith.remsi %scan3A_154, %rem3A_186 : i32
      %mul3A_188 = arith.constant 65536 : i32
      %mul3A_189 = arith.muli %select_n3A, %mul3A_188 : i32
      %add3A_190 = arith.addi %mul3A_189, %mul3A_6 : i32
      %jit3A_191 = arith.constant 8 : i32
      %div3A_192 = arith.divsi %rem3A_187, %jit3A_191 : i32
      %sign3A_193 = arith.constant 0 : i32
      %sign3A_194 = arith.cmpi sgt, %rem3A_187, %sign3A_193 : i32
      %sign3A_195 = arith.extui %sign3A_194 : i1 to i32
      %sign3A_196 = arith.constant 0 : i32
      %sign3A_197 = arith.cmpi slt, %rem3A_187, %sign3A_196 : i32
      %sign3A_198 = arith.extui %sign3A_197 : i1 to i32
      %sign3A_199 = arith.subi %sign3A_195, %sign3A_198 : i32
      %sign3A_200 = arith.constant 0 : i32
      %sign3A_201 = arith.cmpi sgt, %jit3A_191, %sign3A_200 : i32
      %sign3A_202 = arith.extui %sign3A_201 : i1 to i32
      %sign3A_203 = arith.constant 0 : i32
      %sign3A_204 = arith.cmpi slt, %jit3A_191, %sign3A_203 : i32
      %sign3A_205 = arith.extui %sign3A_204 : i1 to i32
      %sign3A_206 = arith.subi %sign3A_202, %sign3A_205 : i32
      %ne3A_207 = arith.cmpi ne, %sign3A_199, %sign3A_206 : i32
      %rem3A_208 = arith.remsi %rem3A_187, %jit3A_191 : i32
      %ne3A_209 = arith.constant 0 : i32
      %ne3A_210 = arith.cmpi ne, %rem3A_208, %ne3A_209 : i32
      %and3A_211 = arith.andi %ne3A_207, %ne3A_210 : i1
      %sub3A_212 = arith.constant 1 : i32
      %sub3A_213 = arith.subi %div3A_192, %sub3A_212 : i32
      %select_n3A_214 = arith.select %and3A_211, %sub3A_213, %div3A_192 : i32
      %mul3A_215 = arith.constant 512 : i32
      %mul3A_216 = arith.muli %select_n3A_214, %mul3A_215 : i32
      %add3A_217 = arith.addi %add3A_190, %mul3A_216 : i32
      %rem3A_218 = arith.constant 8 : i32
      %rem3A_219 = arith.remsi %rem3A_187, %rem3A_218 : i32
      %add3A_220 = arith.addi %add3A_217, %rem3A_219 : i32
      %broadcast_in_dim3A = vector.broadcast %add3A_220 : i32 to vector<16xi32>
      %mul3A_221 = arith.constant 8 : i32
      %mul3A_222 = vector.broadcast %mul3A_221 : i32 to vector<16xi32>
      %mul3A_223 = arith.muli %mul3A_222, %iota3A : vector<16xi32>
      %add3A_224 = arith.addi %broadcast_in_dim3A, %mul3A_223 : vector<16xi32>
      %add3A_225 = arith.constant 0 : i32
      %add3A_226 = vector.broadcast %add3A_225 : i32 to vector<16xi32>
      %add3A_227 = arith.addi %add3A_224, %add3A_226 : vector<16xi32>
      %swap3A = arith.index_cast %rem3A_156 : i32 to index
      %swap3A_228 = arith.constant 0 : index
      %swap3A_229 = tpu.vector_load %arg6[%swap3A, %swap3A_228] {strides = array<i32>} : memref<10x64xi32, #tpu.memory_space<vmem>>, vector<1x16xi32>,
      %swap3A_230 = vector.shape_cast %swap3A_229 : vector<1x16xi32> to vector<16xi32>
      %swap3A_231 = vector.shape_cast %add3A_227 : vector<16xi32> to vector<1x16xi32>
      tpu.vector_store %arg6[%swap3A, %swap3A_228], %swap3A_231 {strides = array<i32>} : memref<10x64xi32, #tpu.memory_space<vmem>>, vector<1x16xi32>,
      %add3A_232 = arith.constant 128 : i32
      %add3A_233 = vector.broadcast %add3A_232 : i32 to vector<16xi32>
      %add3A_234 = arith.addi %add3A_224, %add3A_233 : vector<16xi32>
      %swap3A_235 = arith.index_cast %rem3A_156 : i32 to index
      %swap3A_236 = arith.constant 16 : index
      %swap3A_237 = tpu.vector_load %arg6[%swap3A_235, %swap3A_236] {strides = array<i32>} : memref<10x64xi32, #tpu.memory_space<vmem>>, vector<1x16xi32>,
      %swap3A_238 = vector.shape_cast %swap3A_237 : vector<1x16xi32> to vector<16xi32>
      %swap3A_239 = vector.shape_cast %add3A_234 : vector<16xi32> to vector<1x16xi32>
      tpu.vector_store %arg6[%swap3A_235, %swap3A_236], %swap3A_239 {strides = array<i32>} : memref<10x64xi32, #tpu.memory_space<vmem>>, vector<1x16xi32>,
      %add3A_240 = arith.constant 256 : i32
      %add3A_241 = vector.broadcast %add3A_240 : i32 to vector<16xi32>
      %add3A_242 = arith.addi %add3A_224, %add3A_241 : vector<16xi32>
      %swap3A_243 = arith.index_cast %rem3A_156 : i32 to index
      %swap3A_244 = arith.constant 32 : index
      %swap3A_245 = tpu.vector_load %arg6[%swap3A_243, %swap3A_244] {strides = array<i32>} : memref<10x64xi32, #tpu.memory_space<vmem>>, vector<1x16xi32>,
      %swap3A_246 = vector.shape_cast %swap3A_245 : vector<1x16xi32> to vector<16xi32>
      %swap3A_247 = vector.shape_cast %add3A_242 : vector<16xi32> to vector<1x16xi32>
      tpu.vector_store %arg6[%swap3A_243, %swap3A_244], %swap3A_247 {strides = array<i32>} : memref<10x64xi32, #tpu.memory_space<vmem>>, vector<1x16xi32>,
      %add3A_248 = arith.constant 384 : i32
      %add3A_249 = vector.broadcast %add3A_248 : i32 to vector<16xi32>
      %add3A_250 = arith.addi %add3A_224, %add3A_249 : vector<16xi32>
      %swap3A_251 = arith.index_cast %rem3A_156 : i32 to index
      %swap3A_252 = arith.constant 48 : index
      %swap3A_253 = tpu.vector_load %arg6[%swap3A_251, %swap3A_252] {strides = array<i32>} : memref<10x64xi32, #tpu.memory_space<vmem>>, vector<1x16xi32>,
      %swap3A_254 = vector.shape_cast %swap3A_253 : vector<1x16xi32> to vector<16xi32>
      %swap3A_255 = vector.shape_cast %add3A_250 : vector<16xi32> to vector<1x16xi32>
      tpu.vector_store %arg6[%swap3A_251, %swap3A_252], %swap3A_255 {strides = array<i32>} : memref<10x64xi32, #tpu.memory_space<vmem>>, vector<1x16xi32>,
      %dma_start3A_256 = arith.constant 0 : i32
      %dma_start3A_257 = arith.constant 0 : i32
      %dma_start3A_258 = tpu.memref_slice %arg7[%rem3A_156, %dma_start3A_256, %dma_start3A_257] : memref<10x64x128xf32, #tpu.memory_space<vmem>> -> memref<1x64x128xf32, #tpu.memory_space<vmem>>
      %dma_start3A_259 = tpu.memref_squeeze %dma_start3A_258 : memref<1x64x128xf32, #tpu.memory_space<vmem>> -> memref<64x128xf32, #tpu.memory_space<vmem>>
      %dma_start3A_260 = arith.constant 0 : i32
      %dma_start3A_261 = tpu.memref_slice %arg6[%rem3A_156, %dma_start3A_260] : memref<10x64xi32, #tpu.memory_space<vmem>> -> memref<1x64xi32, #tpu.memory_space<vmem>>
      %dma_start3A_262 = tpu.memref_squeeze %dma_start3A_261 : memref<1x64xi32, #tpu.memory_space<vmem>> -> memref<64xi32, #tpu.memory_space<vmem>>
      %dma_start3A_263 = arith.constant 0 : i32
      %dma_start3A_264 = arith.constant 0 : i32
      %dma_start3A_265 = tpu.memref_slice %arg4[%dma_start3A_263, %dma_start3A_264] : memref<1310720x128xf32, #tpu.memory_space<hbm>> -> memref<1310720x128xf32, #tpu.memory_space<hbm>>
      %dma_start3A_266 = tpu.memref_slice %arg9[%rem3A_156] : memref<10x!tpu.dma_semaphore, #tpu.memory_space<semaphore_mem>> -> memref<1x!tpu.dma_semaphore, #tpu.memory_space<semaphore_mem>>
      %dma_start3A_267 = tpu.memref_squeeze %dma_start3A_266 : memref<1x!tpu.dma_semaphore, #tpu.memory_space<semaphore_mem>> -> memref<!tpu.dma_semaphore, #tpu.memory_space<semaphore_mem>>
      tpu.enqueue_indirect_dma source(%dma_start3A_259 : memref<64x128xf32, #tpu.memory_space<vmem>>) target(%dma_start3A_265 : memref<1310720x128xf32, #tpu.memory_space<hbm>>) offsets(%dma_start3A_262 : memref<64xi32, #tpu.memory_space<vmem>>) semaphore(%dma_start3A_267 : memref<!tpu.dma_semaphore, #tpu.memory_space<semaphore_mem>>)
      %add3A_268 = arith.constant 10 : i32
      %add3A_269 = arith.addi %scan3A_154, %add3A_268 : i32
      %sub3A_270 = arith.constant 1 : i32
      %sub3A_271 = arith.subi %add3A_269, %sub3A_270 : i32
      %lt3A = arith.constant 640 : i32
      %lt3A_272 = arith.cmpi slt, %sub3A_271, %lt3A : i32
      %convert_element_type3A = arith.extui %lt3A_272 : i1 to i32
      %cond3A = arith.constant 0 : i32
      %cond3A_273 = arith.cmpi ne, %convert_element_type3A, %cond3A : i32
      scf.if %cond3A_273 {
        %rem3A_275 = arith.constant 10 : i32
        %rem3A_276 = arith.remsi %sub3A_271, %rem3A_275 : i32
        %ge3A = arith.constant 1 : i32
        %ge3A_277 = arith.cmpi sge, %scan3A_154, %ge3A : i32
        %convert_element_type3A_278 = arith.extui %ge3A_277 : i1 to i32
        %cond3A_279 = arith.constant 0 : i32
        %cond3A_280 = arith.cmpi ne, %convert_element_type3A_278, %cond3A_279 : i32
        scf.if %cond3A_280 {
          %dma_wait3A_293 = arith.constant 0 : i32
          %dma_wait3A_294 = arith.constant 0 : i32
          %dma_wait3A_295 = arith.constant 0 : i32
          %dma_wait3A_296 = tpu.memref_slice %arg7[%rem3A_276, %dma_wait3A_294, %dma_wait3A_295] : memref<10x64x128xf32, #tpu.memory_space<vmem>> -> memref<1x64x128xf32, #tpu.memory_space<vmem>>
          %dma_wait3A_297 = tpu.memref_squeeze %dma_wait3A_296 : memref<1x64x128xf32, #tpu.memory_space<vmem>> -> memref<64x128xf32, #tpu.memory_space<vmem>>
          %dma_wait3A_298 = arith.constant 0 : i32
          %dma_wait3A_299 = tpu.memref_slice %arg6[%dma_wait3A_293, %dma_wait3A_298] : memref<10x64xi32, #tpu.memory_space<vmem>> -> memref<1x64xi32, #tpu.memory_space<vmem>>
          %dma_wait3A_300 = tpu.memref_squeeze %dma_wait3A_299 : memref<1x64xi32, #tpu.memory_space<vmem>> -> memref<64xi32, #tpu.memory_space<vmem>>
          %dma_wait3A_301 = arith.constant 0 : i32
          %dma_wait3A_302 = arith.constant 0 : i32
          %dma_wait3A_303 = tpu.memref_slice %arg4[%dma_wait3A_301, %dma_wait3A_302] : memref<1310720x128xf32, #tpu.memory_space<hbm>> -> memref<1310720x128xf32, #tpu.memory_space<hbm>>
          %dma_wait3A_304 = tpu.memref_slice %arg9[%rem3A_276] : memref<10x!tpu.dma_semaphore, #tpu.memory_space<semaphore_mem>> -> memref<1x!tpu.dma_semaphore, #tpu.memory_space<semaphore_mem>>
          %dma_wait3A_305 = tpu.memref_squeeze %dma_wait3A_304 : memref<1x!tpu.dma_semaphore, #tpu.memory_space<semaphore_mem>> -> memref<!tpu.dma_semaphore, #tpu.memory_space<semaphore_mem>>
          tpu.wait_indirect_dma semaphore(%dma_wait3A_305 : memref<!tpu.dma_semaphore, #tpu.memory_space<semaphore_mem>>) src(%dma_wait3A_297 : memref<64x128xf32, #tpu.memory_space<vmem>>) dst(%dma_wait3A_303 : memref<1310720x128xf32, #tpu.memory_space<hbm>>)
        } else {
        }
        %dma_start3A_281 = arith.constant 0 : i32
        %dma_start3A_282 = arith.constant 0 : i32
        %dma_start3A_283 = tpu.memref_slice %arg7[%rem3A_276, %dma_start3A_281, %dma_start3A_282] : memref<10x64x128xf32, #tpu.memory_space<vmem>> -> memref<1x64x128xf32, #tpu.memory_space<vmem>>
        %dma_start3A_284 = tpu.memref_squeeze %dma_start3A_283 : memref<1x64x128xf32, #tpu.memory_space<vmem>> -> memref<64x128xf32, #tpu.memory_space<vmem>>
        %dma_start3A_285 = arith.constant 0 : i32
        %dma_start3A_286 = tpu.memref_slice %arg5[%sub3A_271, %dma_start3A_285] : memref<640x64xi32, #tpu.memory_space<vmem>> -> memref<1x64xi32, #tpu.memory_space<vmem>>
        %dma_start3A_287 = tpu.memref_squeeze %dma_start3A_286 : memref<1x64xi32, #tpu.memory_space<vmem>> -> memref<64xi32, #tpu.memory_space<vmem>>
        %dma_start3A_288 = arith.constant 0 : i32
        %dma_start3A_289 = arith.constant 0 : i32
        %dma_start3A_290 = tpu.memref_slice %arg3[%dma_start3A_288, %dma_start3A_289] : memref<524288x128xf32, #tpu.memory_space<hbm>> -> memref<524288x128xf32, #tpu.memory_space<hbm>>
        %dma_start3A_291 = tpu.memref_slice %arg8[%rem3A_276] : memref<10x!tpu.dma_semaphore, #tpu.memory_space<semaphore_mem>> -> memref<1x!tpu.dma_semaphore, #tpu.memory_space<semaphore_mem>>
        %dma_start3A_292 = tpu.memref_squeeze %dma_start3A_291 : memref<1x!tpu.dma_semaphore, #tpu.memory_space<semaphore_mem>> -> memref<!tpu.dma_semaphore, #tpu.memory_space<semaphore_mem>>
        tpu.enqueue_indirect_dma source(%dma_start3A_290 : memref<524288x128xf32, #tpu.memory_space<hbm>>) target(%dma_start3A_284 : memref<64x128xf32, #tpu.memory_space<vmem>>) offsets(%dma_start3A_287 : memref<64xi32, #tpu.memory_space<vmem>>) semaphore(%dma_start3A_292 : memref<!tpu.dma_semaphore, #tpu.memory_space<semaphore_mem>>)
      } else {
      }
      %scan3A_274 = arith.constant 0 : i32
      scf.yield %scan3A_274 : i32
    }
    %scan3A_146 = arith.constant 640 : i32
    %scan3A_147 = arith.constant 0 : i32
    %scan3A_148 = arith.constant 630 : i32
    %scan3A_149 = arith.constant 10 : i32
    %scan3A_150 = arith.addi %scan3A_148, %scan3A_149 : i32
    %scan3A_151 = arith.constant 1 : i32
    %scan3A_152 = scf.for %scan3A_154 = %scan3A_148 to %scan3A_150 step %scan3A_151 iter_args(%scan3A_155 = %scan3A_147) -> (i32)  : i32 {
      %rem3A = arith.constant 10 : i32
      %rem3A_156 = arith.remsi %scan3A_154, %rem3A : i32
      %dma_wait3A = arith.constant 0 : i32
      %dma_wait3A_157 = arith.constant 0 : i32
      %dma_wait3A_158 = arith.constant 0 : i32
      %dma_wait3A_159 = tpu.memref_slice %arg7[%rem3A_156, %dma_wait3A_157, %dma_wait3A_158] : memref<10x64x128xf32, #tpu.memory_space<vmem>> -> memref<1x64x128xf32, #tpu.memory_space<vmem>>
      %dma_wait3A_160 = tpu.memref_squeeze %dma_wait3A_159 : memref<1x64x128xf32, #tpu.memory_space<vmem>> -> memref<64x128xf32, #tpu.memory_space<vmem>>
      %dma_wait3A_161 = arith.constant 0 : i32
      %dma_wait3A_162 = tpu.memref_slice %arg6[%dma_wait3A, %dma_wait3A_161] : memref<10x64xi32, #tpu.memory_space<vmem>> -> memref<1x64xi32, #tpu.memory_space<vmem>>
      %dma_wait3A_163 = tpu.memref_squeeze %dma_wait3A_162 : memref<1x64xi32, #tpu.memory_space<vmem>> -> memref<64xi32, #tpu.memory_space<vmem>>
      %dma_wait3A_164 = arith.constant 0 : i32
      %dma_wait3A_165 = arith.constant 0 : i32
      %dma_wait3A_166 = tpu.memref_slice %arg4[%dma_wait3A_164, %dma_wait3A_165] : memref<1310720x128xf32, #tpu.memory_space<hbm>> -> memref<1310720x128xf32, #tpu.memory_space<hbm>>
      %dma_wait3A_167 = tpu.memref_slice %arg9[%rem3A_156] : memref<10x!tpu.dma_semaphore, #tpu.memory_space<semaphore_mem>> -> memref<1x!tpu.dma_semaphore, #tpu.memory_space<semaphore_mem>>
      %dma_wait3A_168 = tpu.memref_squeeze %dma_wait3A_167 : memref<1x!tpu.dma_semaphore, #tpu.memory_space<semaphore_mem>> -> memref<!tpu.dma_semaphore, #tpu.memory_space<semaphore_mem>>
      tpu.wait_indirect_dma semaphore(%dma_wait3A_168 : memref<!tpu.dma_semaphore, #tpu.memory_space<semaphore_mem>>) src(%dma_wait3A_160 : memref<64x128xf32, #tpu.memory_space<vmem>>) dst(%dma_wait3A_166 : memref<1310720x128xf32, #tpu.memory_space<hbm>>)
      %scan3A_169 = arith.constant 0 : i32
      scf.yield %scan3A_169 : i32
    }
    %scan3A_153 = arith.constant 10 : i32
    return
  }
}

</mosaic_0001>

<sc_bundles>
// kernel: kernel.3.cloned.1.call-start
scs
__scs_entry_jumppad:
0x0: {  	(pc) =	sbr.rel $0x88, $3  }
0x1: {  	(tag) =	ssettag $0x0;
	lr =	simm.s32 $0x1  }
0x2: {  	[smem:$0x3F9F] =	sst lr;
	_ =	strace $0xD0000000  }
0x3: {  	_ = 	snop  }
0x4: {  	_ = 	snop  }
0x5: {  	_ = 	snop  }
0x6: {  	_ = 	snop  }
0x7: {  	_ = 	snop  }
__scs_overlays_trampoline_lowered:
0x8: {  	[smem:$0x3FAE] =	sst s0  }
0x9: {  	[smem:$0x3FAF] =	sst s1  }
0xa: {  	[smem:$0x3FB0] =	sst s2  }
0xb: {  	[smem:$0x3FB1] =	sst s3  }
0xc: {  	[smem:$0x3FB2] =	sst s4  }
0xd: {  	[smem:$0x3FB3] =	sst s5  }
0xe: {  	[smem:$0x3FB4] =	sst s6  }
0xf: {  	[smem:$0x3FB5] =	sst s7  }
0x10: {  	[smem:$0x3FB6] =	sst s8  }
0x11: {  	[smem:$0x3FB7] =	sst s9;
	s0 =	simm.s32 @!p0 $0x0  }
0x12: {  	s1 =	sld [smem:$0x3F9D];
	s0 =	simm.s32 @p0 $0x1  }
0x13: {  	[smem:$0x3FB8] =	sst s0;
	s0 =	simm.s32 @!p1 $0x0  }
0x14: {  	s2 =	sld [smem:$0x3F9C];
	s0 =	simm.s32 @p1 $0x1  }
0x15: {  	[smem:$0x3FB9] =	sst s0;
	s0 =	simm.s32 @!p2 $0x0  }
0x16: {  	s3 =	sld [smem:$0x3FDB];
	s0 =	simm.s32 @p2 $0x1  }
0x17: {  	s4 =	simm.s32 $0x1BF5;
	[smem:$0x3FBB] =	sst s0  }
0x18: {  	s0 =	sld [smem:$0x3F9E];
	_ =	swait.ge [sflag:s4], $0x0  }
0x19: {  	s7 =	sld [smem:$0x3F9F]  }
0x1a: {  	s8 =	sadd.s32 $0xFFFFE003, lr  }
0x1b: {  	s9 =	sadd.s32 $0xFFFFFEF7, lr;
	s5 =	simm.s32 $0xFFFFFFFF;
	p2 =	slt.u32 s8, $0xFFFFF086  }
0x1c: {  	p1 =	slt.u32 s9, $0xF7A;
	s5 =	simm.s32 @!p2 $0x0  }
0x1d: {  	s5 =	simm.s32 @p1 $0x1;
	p0 =	seq.s32 s7, s2  }
0x1e: {  	s7 =	smul.u32 @!p0 $0xF7A, s2;
	p2 =	seq.s32 @!p0 s5, $0x0  }
0x1f: {  	s9 =	smul.u32 $0xF7A, s1;
	s8 =	simm.s32 @!p0 $0x1BF5;
	p2 =	por !p2, p0  }
0x20: {  	[sflag:s8] =	ssyncset.s32 @!p0 $0xFFFFF086;
	s6 =	sadd.s32 @!p0 s3, s7;
	s7 =	simm.s32 @!p0 $0x108  }
0x21: {  	s3 =	sadd.s32 s3, s9;
	s6 =	sadd.s32 @!p0 $0x88, s6;
	s7 =	simm.s32 @p2 $0x1082  }
0x22: {  	[simem:s7], [sflag:s8] =	dma.local @!p0 [hbm:s6], $0xF7A  }
0x23: {  	s9 =	sor.u32 $0xD0000000, s2;
	s6 =	simm.s32 $0x108;
	_ =	swait.ge @!p0 [sflag:s8], $0x0  }
0x24: {  	s3 =	sadd.s32 $0x88, s3;
	s6 =	simm.s32 @!p1 $0x1082;
	[sflag:s4] =	ssyncset.s32 $0xFFFFF086  }
0x25: {  	[simem:s6], [sflag:s4] =	dma.local [hbm:s3], $0xF7A  }
0x26: {  	[smem:$0x3F9F] =	sst s1;
	(tag) =	ssettag s2;
	_ =	strace s9  }
0x27: {  	s1 =	sld [smem:$0x3FAF]  }
0x28: {  	s2 =	sld [smem:$0x3FB0]  }
0x29: {  	s4 =	sld [smem:$0x3FB2]  }
0x2a: {  	p0 =	seq.s32 s5, $0x0;
	s5 =	sld [smem:$0x3FB3]  }
0x2b: {  	s6 =	sld [smem:$0x3FB4]  }
0x2c: {  	s7 =	sld [smem:$0x3FB5]  }
0x2d: {  	s3 =	simm.s32 $0x108;
	s8 =	sld [smem:$0x3FB6]  }
0x2e: {  	s3 =	simm.s32 @!p0 $0x1082;
	s9 =	sld [smem:$0x3FB7]  }
0x2f: {  	lr =	sadd.s32 s0, s3;
	s0 =	sld [smem:$0x3FAE]  }
0x30: {  	s3 =	sld [smem:$0x3FB1]  }
0x31: {  	[smem:$0x3FBA] =	sst s10  }
0x32: {  	s10 =	sld [smem:$0x3FB8];
	_ =	sdelay $0x3  }
0x33: {  	p0 =	seq.s32 s10, $0x1;
	s10 =	sld [smem:$0x3FBA];
	_ =	sdelay $0x3  }
0x34: {  	[smem:$0x3FBA] =	sst s10  }
0x35: {  	s10 =	sld [smem:$0x3FB9];
	_ =	sdelay $0x3  }
0x36: {  	p1 =	seq.s32 s10, $0x1;
	s10 =	sld [smem:$0x3FBA];
	_ =	sdelay $0x3  }
0x37: {  	[smem:$0x3FBA] =	sst s10  }
0x38: {  	s10 =	sld [smem:$0x3FBB]  }
0x39: {  	_ = 	snop;
	(pc) =	sbr.ind lr, $3  }
0x3a: {  	_ = 	snop  }
0x3b: {  	_ = 	snop  }
0x3c: {  	p2 =	seq.s32 s10, $0x1;
	s10 =	sld [smem:$0x3FBA]  }
0x3d: {  	_ =	shalt  }
0x3e: {  	_ =	shalt  }
0x3f: {  	_ =	shalt  }
0x40: {  	_ =	shalt  }
0x41: {  	_ =	shalt  }
0x42: {  	_ =	shalt  }
0x43: {  	_ =	shalt  }
0x44: {  	_ =	shalt  }
0x45: {  	_ =	shalt  }
0x46: {  	_ =	shalt  }
0x47: {  	_ =	shalt  }
0x48: {  	_ =	shalt  }
0x49: {  	_ =	shalt  }
0x4a: {  	_ =	shalt  }
0x4b: {  	_ =	shalt  }
0x4c: {  	_ =	shalt  }
0x4d: {  	_ =	shalt  }
0x4e: {  	_ =	shalt  }
0x4f: {  	_ =	shalt  }
0x50: {  	_ =	shalt  }
0x51: {  	_ =	shalt  }
0x52: {  	_ =	shalt  }
0x53: {  	_ =	shalt  }
0x54: {  	_ =	shalt  }
0x55: {  	_ =	shalt  }
0x56: {  	_ =	shalt  }
0x57: {  	_ =	shalt  }
0x58: {  	_ =	shalt  }
0x59: {  	_ =	shalt  }
0x5a: {  	_ =	shalt  }
0x5b: {  	_ =	shalt  }
0x5c: {  	_ =	shalt  }
0x5d: {  	_ =	shalt  }
0x5e: {  	_ =	shalt  }
0x5f: {  	_ =	shalt  }
0x60: {  	_ =	shalt  }
0x61: {  	_ =	shalt  }
0x62: {  	_ =	shalt  }
0x63: {  	_ =	shalt  }
0x64: {  	_ =	shalt  }
0x65: {  	_ =	shalt  }
0x66: {  	_ =	shalt  }
0x67: {  	_ =	shalt  }
0x68: {  	_ =	shalt  }
0x69: {  	_ =	shalt  }
0x6a: {  	_ =	shalt  }
0x6b: {  	_ =	shalt  }
0x6c: {  	_ =	shalt  }
0x6d: {  	_ =	shalt  }
0x6e: {  	_ =	shalt  }
0x6f: {  	_ =	shalt  }
0x70: {  	_ =	shalt  }
0x71: {  	_ =	shalt  }
0x72: {  	_ =	shalt  }
0x73: {  	_ =	shalt  }
0x74: {  	_ =	shalt  }
0x75: {  	_ =	shalt  }
0x76: {  	_ =	shalt  }
0x77: {  	_ =	shalt  }
0x78: {  	_ =	shalt  }
0x79: {  	_ =	shalt  }
0x7a: {  	_ =	shalt  }
0x7b: {  	_ =	shalt  }
0x7c: {  	_ =	shalt  }
0x7d: {  	_ =	shalt  }
0x7e: {  	_ =	shalt  }
0x7f: {  	_ =	shalt  }
0x80: {  	_ =	shalt  }
0x81: {  	_ =	shalt  }
0x82: {  	_ =	shalt  }
0x83: {  	_ =	shalt  }
0x84: {  	_ =	shalt  }
0x85: {  	_ =	shalt  }
0x86: {  	_ =	shalt  }
0x87: {  	_ =	shalt  }
.Lfunc_end0:
.L_simem_size_0:
called_computation_lowered:
.L_overlay_start_0:
0x88: {  	s2 =	sld [smem:$0x3FD9]  }
0x89: {  	s3 =	sld [smem:$0x3FFE];
	_ =	sdelay $0x1  }
0x8a: {  	s1 =	srdreg.scid  }
0x8b: {  	s0 =	sand.u32 $0x1, s1  }
0x8c: {  	s17 =	sshll.u32 s0, $0xA;
	s2 =	sadd.s32 s3, s2  }
0x8d: {  	s2 =	sadd.s32 s2, s17  }
0x8e: {  	[smem:$0x3FC6] =	sst s2  }
0x8f: {  	_ = 	snop  }
0x90: {  	s2 =	sld [smem:$0x3FC8]  }
0x91: {  	s18 =	sld [smem:$0x3FD0];
	(tm) =	ssettm $0x1  }
0x92: {  	s4 =	sld [smem:$0x3FFB];
	_ =	sdelay $0x3  }
0x93: {  	_ =	strace s4  }
0x94: {  	s4 =	sld [smem:$0x3FFC];
	_ =	sdelay $0x3  }
0x95: {  	_ =	strace s4  }
0x96: {  	s4 =	sld [smem:$0x3FFD];
	_ =	sdelay $0x3  }
0x97: {  	_ =	strace s4  }
0x98: {  	_ =	strace $0x8FFFFFFF  }
0x99: {  	s19 =	sld [smem:$0x3FDB];
	_ =	sdelay $0x1  }
0x9a: {  	s5 =	simm.s32 $_scs_section_size  }
0x9b: {  	s6 =	simm.s32 $_size__tile_overlayer_lowered;
	s7 =	simm.s32 $_tile_overlayer_lowered  }
0x9c: {  	s22 =	simm.s32 $0x1BFF;
	s21 =	sshll.u32 s7, $0x1;
	s4 =	sadd.s32 s5, s19  }
0x9d: {  	s8 =	simm.s32 $0x0;
	s20 =	sshll.u32 s6, $0x1;
	s6 =	sadd.s32 s21, s4  }
0x9e: {  	[timem:s8], [sflag:s22] =	dma.local [hbm:s6], s20  }
0x9f: {  	_ =	swait.ge [sflag:s22], s20  }
0xa0: {  	s5 =	ssub.s32 $0x0, s20;
	[sflag:s22] =	ssyncset.done $0x0  }
0xa1: {  	[sflag:s22] =	ssyncadd.s32 s5;
	_ =	sdelay $0x1  }
0xa2: {  	s23 =	simm.s32 $0x1B8B  }
0xa3: {  	_ =	swait.ge [sflag:s23], $0x1  }
0xa4: {  	[sflag:s23] =	ssyncset.done $0x0  }
0xa5: {  	s25 =	simm.s32 $0x1B8E;
	s24 =	sld [smem:$0x3FFE];
	[sflag:s23] =	ssyncadd.s32 $0xFFFFFFFF  }
0xa6: {  	s26 =	simm.s32 $execute0_lowered;
	[smem:$0x3FD2] =	sst s25  }
0xa7: {  	s6 =	sshll.u32 s26, $0x1;
	_ =	strace $0x80000046;
	[dreg:$0x1] =	wrdreg $0xFFFFFFFF  }
0xa8: {  	s28 =	simm.s32 $_size_execute0_lowered;
	s4 =	sadd.s32 s4, s6;
	[dreg:$0x0] =	wrdreg $0x0  }
0xa9: {  	s6 =	sshll.u32 s28, $0x1;
	[dreg:$0x2] =	wrdreg s4  }
0xaa: {  	[dreg:$0x3] =	wrdreg s6  }
0xab: {  	[dreg:$0x4] =	wrdreg $0xC0  }
0xac: {  	_ =	task [dreg:s8], $0x5FFFF  }
0xad: {  	[dreg:$0x1] =	wrdreg $0xFFFFFFFF  }
0xae: {  	[dreg:$0x0] =	wrdreg $0x60  }
0xaf: {  	[dreg:$0x2] =	wrdreg s24  }
0xb0: {  	[dreg:$0x3] =	wrdreg s2  }
0xb1: {  	[dreg:$0x4] =	wrdreg s18  }
0xb2: {  	[dreg:$0x5] =	wrdreg $0x9  }
0xb3: {  	_ =	task.clear_ibuf [dreg:s8], $0x6FFFF;
	_ =	strace $0x90000046  }
0xb4: {  	s29 =	simm.s32 $0x9;
	_ =	strace $0x80000048  }
0xb5: {  	_ =	swait.ge [sflag:s29], $0x1  }
0xb6: {  	[sflag:s29] =	ssyncadd.s32 $0xFFFFFFFF  }
0xb7: {  	_ =	strace $0x90000048  }
0xb8: {  	_ =	sfence  }
0xb9: {  	s30 =	sld [smem:$0x0];
	_ =	sdelay $0x2  }
0xba: {  	s31 =	sshll.u32 s1, $0xD;
	s1 =	sshrl.u32 s1, $0x2  }
0xbb: {  	s3 =	sand.u32 $0x4000, s31;
	s1 =	sadd.s32 s1, s30  }
0xbc: {  	s0 =	sor.u32 s3, s0;
	s1 =	sshll.u32 s1, $0x11  }
0xbd: {  	s0 =	sor.u32 s1, s0  }
0xbe: {  	s0 =	sadd.s32 $0x8F2B, s0  }
0xbf: {  	[sflag:s0] =	ssyncadd.remote.s32 $0x1  }
0xc0: {  	_ =	sfence.sel $0xFFFF  }
0xc1: {  	[dreg:$0x0] =	wrdreg $0xFFFFFFFF;
	(pc) =	sbr.abs _section_cstart, $3  }
0xc2: {  	[dreg:$0x1] =	wrdreg $0xFFFFFFFF  }
0xc3: {  	_ =	task.clear_ibuf [dreg:s8], $0x2FFFF;
	_ =	strace $0x9FFFFFFF  }
0xc4: {  	(tm) =	ssettm $0x7FFFFFFF  }
0xc5: {  	_ =	shalt  }
tec
execute0_lowered:
.L_overlay_start_1:
0x0: {  	(tag) =	ssettag $0x1  }
0x1: {  	s0 =	rddreg [dreg:$0x0]  }
0x2: {  	s2 =	srdreg.scid;
	s1 =	rddreg [dreg:$0x1]  }
0x3: {  	s3 =	stileid.u32;
	s4 =	rddreg [dreg:$0x2];
	s7 =	simm.s32 $0x15  }
0x4: {  	s8 =	simm.s32 $0x40;
	s25 =	simm.s32 $0xB;
	s28 =	simm.s32 $0xD  }
0x5: {  	s29 =	simm.s32 $0xE;
	s30 =	simm.s32 $0xF;
	s31 =	simm.s32 $0x10  }
0x6: {  	s9 =	simm.s32 $0x13;
	s2 =	sand.u32 $0x1, s2;
	s3 =	sshll.u32 s3, $0x1  }
0x7: {  	s10 =	simm.s32 $0x14;
	[dreg:$0x4] =	wrdreg s4;
	s3 =	sor.u32 s2, s3  }
0x8: {  	s4 =	simm.s32 $0x0;
	s2 =	ssub.s32 $0x2, s2;
	s5 =	smul.u32 $0x1400, s3  }
0x9: {  	v0 =	vlaneseq.u32;
	s11 =	simm.s32 $0x0;
	[smem:$0x7FF] =	sst s4;
	s26 =	sshrl.u32 s2, $0x1  }
0xa: {  	v0 =	vmul.u32 $0x8, v0;
	_ =	strace $0x80000047;
	s2 =	ssub.s32 s2, s26;
	s0 =	sadd.s32 s5, s0  }
0xb: {  	s26 =	simm.s32 $0xC;
	s6 =	smax.u32 s2, $0x1;
	s0 =	sadd.s32 $0x400, s0  }
0xc: {  	v1 =	vor.u32 $0x80, v0;
	v2 =	vor.u32 $0x100, v0;
	v3 =	vor.u32 $0x180, v0;
	s2 =	simm.s32 $0x11;
	[dreg:$0x5] =	wrdreg s0;
	s0 =	simm.s32 $0x12  }
.LBB2_1:
0xd: {  	s5 =	rddreg [dreg:$0x5]  }
0xe: {  	[tilespmem:s4], [sflag:$0x15] =	stream.linear.gather [hbm4b:s5+s4], $0xA000, $0x38;
	[tilespmem:$0x1E280] =	vst v63  }
0xf: {  	_ =	swait.ge [sflag:s7], $0xA000  }
0x10: {  	[sflag:s7] =	ssyncset.done $0x0  }
0x11: {  	s22 =	simm.s32 $0xA280;
	s23 =	simm.s32 $0xC280;
	[sflag:s7] =	ssyncadd.s32 $0xFFFF6000  }
0x12: {  	[tilespmem:s22], [sflag:$0x1] =	stream.indirect.gather [hbm4b:s1+s8], $0x80, s4, s8, $0xb8;
	[tilespmem:$0x1E280] =	vst v63  }
0x13: {  	s24 =	simm.s32 $0x80;
	s12 =	simm.s32 $0xE280;
	s13 =	simm.s32 $0x10280  }
0x14: {  	[tilespmem:s23], [sflag:$0x2] =	stream.indirect.gather [hbm4b:s1+s8], $0x80, s8, s8, $0xb8;
	[tilespmem:$0x1E280] =	vst v63  }
0x15: {  	s14 =	simm.s32 $0x100;
	s15 =	simm.s32 $0x12280;
	s16 =	simm.s32 $0x140  }
0x16: {  	[tilespmem:s12], [sflag:$0x3] =	stream.indirect.gather [hbm4b:s1+s8], $0x80, s24, s8, $0xb8;
	[tilespmem:$0x1E280] =	vst v63  }
0x17: {  	s17 =	simm.s32 $0x14280;
	s18 =	simm.s32 $0x180;
	s12 =	simm.s32 $0xC0  }
0x18: {  	[tilespmem:s13], [sflag:$0x4] =	stream.indirect.gather [hbm4b:s1+s8], $0x80, s12, s8, $0xb8;
	[tilespmem:$0x1E280] =	vst v63  }
0x19: {  	s19 =	simm.s32 $0x16280;
	p0 =	por $0x0, $0x0;
	s13 =	simm.s32 $0x0  }
0x1a: {  	s20 =	simm.s32 $0x1C0;
	p1 =	por @!p0 $0x1, $0x1;
	s22 =	smul.u32 $0xCCCD, s13  }
0x1b: {  	[tilespmem:s15], [sflag:$0x5] =	stream.indirect.gather [hbm4b:s1+s8], $0x80, s14, s8, $0xb8;
	[tilespmem:$0x1E280] =	vst v63  }
0x1c: {  	s21 =	simm.s32 $0x18280;
	p2 =	por p1, p0;
	s12 =	sshrl.u32 s22, $0x13  }
0x1d: {  	[tilespmem:s17], [sflag:$0x6] =	stream.indirect.gather [hbm4b:s1+s8], $0x80, s16, s8, $0xb8;
	[tilespmem:$0x1E280] =	vst v63  }
0x1e: {  	s23 =	simm.s32 $0x200;
	s14 =	simm.s32 $0x1A280;
	s15 =	smul.u32 $0xA, s12  }
0x1f: {  	s16 =	simm.s32 $0x9;
	s12 =	simm.s32 $0x40;
	s17 =	sand.u32 $0x3E0, s13  }
0x20: {  	[tilespmem:s19], [sflag:$0x7] =	stream.indirect.gather [hbm4b:s1+s8], $0x80, s18, s8, $0xb8;
	[tilespmem:$0x1E280] =	vst v63  }
0x21: {  	s13 =	sand.u32 $0x7, s13;
	s17 =	sor.u32 s3, s17;
	s15 =	ssub.s32 $0x0, s15  }
0x22: {  	s18 =	sand.u32 $0x600, s4;
	s17 =	sshll.u32 s17, $0xB;
	s15 =	sand.u32 $0xFFFF, s15  }
0x23: {  	[tilespmem:s21], [sflag:$0x8] =	stream.indirect.gather [hbm4b:s1+s8], $0x80, s20, s8, $0xb8;
	[tilespmem:$0x1E280] =	vst v63  }
0x24: {  	s17 =	sor.u32 s18, s17;
	s19 =	sadd.s32 $0x1, s15;
	s20 =	sshll.u32 s15, $0x6  }
0x25: {  	[tilespmem:s14], [sflag:$0x9] =	stream.indirect.gather [hbm4b:s1+s8], $0x80, s23, s8, $0xb8;
	[tilespmem:$0x1E280] =	vst v63  }
0x26: {  	s13 =	sor.u32 s13, s17;
	s17 =	smul.u32 @!p0 $0xCCCD, s16;
	_ =	swait.ge [sflag:s19], $0x2000  }
0x27: {  	s16 =	simm.s32 $0x80;
	s21 =	sshll.u32 s15, $0xD;
	[sflag:s19] =	ssyncset.done $0x0  }
0x28: {  	v4 =	vor.u32 s13, v0;
	s18 =	sor.u32 $0xA000, s20;
	s17 =	sshrl.u32 @!p0 s17, $0x13;
	[sflag:s19] =	ssyncadd.s32 $0xFFFFE000  }
0x29: {  	s15 =	sadd.s32 $0xB, s15;
	s24 =	sor.u32 $0xA010, s20;
	s17 =	smul.u32 @!p0 $0xA, s17;
	[tilespmem:s18+$0x0] =	vst v4;
	v4 =	vor.u32 s13, v1  }
0x2a: {  	s5 =	sor.u32 $0xA020, s20;
	s14 =	simm.s32 $0x240;
	s23 =	sor.u32 $0xA030, s20;
	[tilespmem:s24+$0x0] =	vst v4;
	v4 =	vor.u32 s13, v2  }
0x2b: {  	s22 =	rddreg [dreg:$0x4];
	s17 =	ssub.s32 @!p0 $0x9, s17;
	s24 =	sadd.s32 $0xA280, s21;
	[tilespmem:s5+$0x0] =	vst v4;
	v4 =	vor.u32 s13, v3  }
0x2c: {  	s21 =	sand.u32 @!p0 $0xFFFF, s17;
	s17 =	simm.s32 $0x1;
	s13 =	simm.s32 $0x280;
	[tilespmem:s23+$0x0] =	vst v4  }
0x2d: {  	[hbm4b:s22+s8] =	stream.indirect.scatter [tilespmem:s24], [sflag:s15], $0x80, s18, s8, $0xb8;
	[tilespmem:$0x1E280] =	vst v63  }
0x2e: {  	s20 =	sadd.s32 @!p2 $0xB, s21;
	s19 =	sadd.s32 @!p0 $0x1, s21;
	s15 =	simm.s32 $0xA  }
0x2f: {  	s22 =	smul.u32 $0xCCCD, s17;
	s18 =	sand.u32 $0x3E0, s17;
	_ =	swait.ge @!p2 [sflag:s20], $0x2000  }
.LBB2_2:
0x30: {  	[sflag:s20] =	ssyncset.done @!p2 $0x0;
	s21 =	sshll.u32 @!p0 s21, $0xD;
	s23 =	simm.s32 @!p0 $0x40  }
0x31: {  	s24 =	smov.u32 s12;
	s12 =	smov.u32 s16;
	s5 =	smov.u32 s14  }
0x32: {  	s16 =	sadd.s32 $0x40, s16;
	s14 =	smov.u32 s13;
	s18 =	sor.u32 s3, s18  }
0x33: {  	s13 =	sadd.s32 $0x40, s13;
	s22 =	sshrl.u32 s22, $0x13;
	[sflag:s20] =	ssyncadd.s32 @!p2 $0xFFFFE000  }
0x34: {  	s20 =	sadd.s32 @!p0 $0xA280, s21;
	s18 =	sshll.u32 s18, $0xB;
	s22 =	smul.u32 $0xA, s22  }
0x35: {  	[tilespmem:s20], [sflag:s19] =	stream.indirect.gather @!p0 [hbm4b:s1+s23], $0x80, s5, s23, $0xb8;
	[tilespmem:$0x1E280] =	vst v63  }
0x36: {  	p1 =	sne.s32 s16, $0xA000;
	s19 =	sand.u32 $0x7, s17;
	s21 =	ssub.s32 s17, s22  }
0x37: {  	p0 =	sgt.u32 s17, $0x276;
	s22 =	sand.u32 $0x600, s24;
	s5 =	sand.u32 $0xFFFF, s21  }
0x38: {  	p2 =	seq.s32 @!p0 s24, $0x0;
	s18 =	sor.u32 s22, s18;
	s17 =	sadd.s32 $0x1, s5  }
0x39: {  	s18 =	sor.u32 s19, s18;
	s19 =	smul.u32 @!p0 $0xCCCD, s15;
	_ =	swait.ge [sflag:s17], $0x2000  }
0x3a: {  	p2 =	por p2, p0;
	s21 =	sshll.u32 s5, $0x6;
	[sflag:s17] =	ssyncset.done $0x0  }
0x3b: {  	v4 =	vor.u32 s18, v0;
	s19 =	sshrl.u32 @!p0 s19, $0x13;
	[sflag:s17] =	ssyncadd.s32 $0xFFFFE000;
	s17 =	sor.u32 $0xA000, s21  }
0x3c: {  	s22 =	sshll.u32 s5, $0xD;
	s23 =	sor.u32 $0xA010, s21;
	s19 =	smul.u32 @!p0 $0xA, s19;
	[tilespmem:s17+$0x0] =	vst v4;
	v4 =	vor.u32 s18, v1  }
0x3d: {  	s5 =	sadd.s32 $0xB, s5;
	s24 =	sor.u32 $0xA020, s21;
	s21 =	sor.u32 $0xA030, s21;
	[tilespmem:s23+$0x0] =	vst v4;
	v4 =	vor.u32 s18, v2  }
.Ltmp0:
0x3e: {  	s23 =	rddreg [dreg:$0x4];
	[tilespmem:s24+$0x0] =	vst v4;
	v4 =	vor.u32 s18, v3;
	s18 =	ssub.s32 @!p0 s15, s19;
	(pc) =	sbr.rel @p1 .LBB2_2-.Ltmp0, $4  }
0x3f: {  	s24 =	sadd.s32 $0xA280, s22;
	s15 =	sadd.s32 $0x1, s15;
	[tilespmem:s21+$0x0] =	vst v4;
	s21 =	sand.u32 @!p0 $0xFFFF, s18  }
0x40: {  	[hbm4b:s23+s8] =	stream.indirect.scatter [tilespmem:s24], [sflag:s5], $0x80, s17, s8, $0xb8;
	[tilespmem:$0x1E280] =	vst v63  }
0x41: {  	s17 =	sadd.s32 $0xFFFFFFF7, s15;
	s20 =	sadd.s32 @!p2 $0xB, s21;
	s19 =	sadd.s32 @!p0 $0x1, s21  }
0x42: {  	s22 =	smul.u32 $0xCCCD, s17;
	s18 =	sand.u32 $0x3E0, s17;
	_ =	swait.ge @!p2 [sflag:s20], $0x2000  }
0x43: {  	[sflag:s20] =	ssyncset.done @!p2 $0x0  }
0x44: {  	s5 =	sshll.u32 @!p0 s21, $0xD;
	s16 =	simm.s32 @!p0 $0x40;
	s23 =	sshrl.u32 s22, $0x13  }
0x45: {  	[sflag:s20] =	ssyncadd.s32 @!p2 $0xFFFFE000;
	s5 =	sadd.s32 @!p0 $0xA280, s5;
	s24 =	smul.u32 $0xA, s23  }
0x46: {  	[tilespmem:s5], [sflag:s19] =	stream.indirect.gather @!p0 [hbm4b:s1+s16], $0x80, s14, s16, $0xb8;
	[tilespmem:$0x1E280] =	vst v63  }
0x47: {  	s18 =	sor.u32 s3, s18;
	s20 =	ssub.s32 s17, s24  }
0x48: {  	s22 =	sand.u32 $0x600, s12;
	s18 =	sshll.u32 s18, $0xB;
	s5 =	sand.u32 $0xFFFF, s20  }
0x49: {  	s21 =	sand.u32 $0x7, s17;
	s16 =	sor.u32 s22, s18;
	s23 =	sadd.s32 $0x1, s5  }
0x4a: {  	p0 =	sgt.u32 s17, $0x276;
	s14 =	sor.u32 s21, s16;
	_ =	swait.ge [sflag:s23], $0x2000  }
0x4b: {  	s16 =	smul.u32 @!p0 $0xCCCD, s15;
	s24 =	sshll.u32 s5, $0x6;
	[sflag:s23] =	ssyncset.done $0x0  }
0x4c: {  	v4 =	vor.u32 s14, v0;
	s17 =	sor.u32 $0xA000, s24;
	[sflag:s23] =	ssyncadd.s32 $0xFFFFE000  }
0x4d: {  	s16 =	sshrl.u32 @!p0 s16, $0x13;
	s20 =	sor.u32 $0xA010, s24;
	[tilespmem:s17+$0x0] =	vst v4;
	v4 =	vor.u32 s14, v1  }
0x4e: {  	p1 =	seq.s32 @!p0 s12, $0x0;
	s16 =	smul.u32 @!p0 $0xA, s16;
	s21 =	sor.u32 $0xA020, s24;
	[tilespmem:s20+$0x0] =	vst v4;
	v4 =	vor.u32 s14, v2  }
0x4f: {  	s22 =	sshll.u32 s5, $0xD;
	s5 =	sadd.s32 $0xB, s5;
	s23 =	sor.u32 $0xA030, s24;
	[tilespmem:s21+$0x0] =	vst v4;
	v4 =	vor.u32 s14, v3  }
0x50: {  	s12 =	ssub.s32 @!p0 s15, s16;
	s24 =	sadd.s32 $0xA280, s22;
	s20 =	rddreg [dreg:$0x4];
	[tilespmem:s23+$0x0] =	vst v4  }
0x51: {  	[hbm4b:s20+s8] =	stream.indirect.scatter [tilespmem:s24], [sflag:s5], $0x80, s17, s8, $0xb8;
	[tilespmem:$0x1E280] =	vst v63  }
0x52: {  	p1 =	por p1, p0;
	s5 =	sand.u32 @!p0 $0xFFFF, s12  }
0x53: {  	s12 =	sadd.s32 @!p1 $0xB, s5  }
0x54: {  	_ =	swait.ge @!p1 [sflag:s12], $0x2000  }
0x55: {  	s14 =	sadd.s32 @!p0 $0x1, s5;
	s5 =	sshll.u32 @!p0 s5, $0xD;
	[sflag:s12] =	ssyncset.done @!p1 $0x0  }
0x56: {  	s15 =	simm.s32 @!p0 $0x40;
	s5 =	sadd.s32 @!p0 $0xA280, s5;
	[sflag:s12] =	ssyncadd.s32 @!p1 $0xFFFFE000  }
0x57: {  	[tilespmem:s5], [sflag:s14] =	stream.indirect.gather @!p0 [hbm4b:s1+s15], $0x80, s13, s15, $0xb8;
	[tilespmem:$0x1E280] =	vst v63  }
0x58: {  	_ =	swait.ge [sflag:s25], $0x2000  }
0x59: {  	[sflag:s25] =	ssyncset.done $0x0  }
0x5a: {  	[sflag:s25] =	ssyncadd.s32 $0xFFFFE000  }
0x5b: {  	_ =	swait.ge [sflag:s26], $0x2000  }
0x5c: {  	[sflag:s26] =	ssyncset.done $0x0  }
0x5d: {  	[sflag:s26] =	ssyncadd.s32 $0xFFFFE000  }
0x5e: {  	_ =	swait.ge [sflag:s28], $0x2000  }
0x5f: {  	[sflag:s28] =	ssyncset.done $0x0  }
0x60: {  	[sflag:s28] =	ssyncadd.s32 $0xFFFFE000  }
0x61: {  	_ =	swait.ge [sflag:s29], $0x2000  }
0x62: {  	[sflag:s29] =	ssyncset.done $0x0  }
0x63: {  	[sflag:s29] =	ssyncadd.s32 $0xFFFFE000  }
0x64: {  	_ =	swait.ge [sflag:s30], $0x2000  }
0x65: {  	[sflag:s30] =	ssyncset.done $0x0  }
0x66: {  	[sflag:s30] =	ssyncadd.s32 $0xFFFFE000  }
0x67: {  	_ =	swait.ge [sflag:s31], $0x2000  }
0x68: {  	[sflag:s31] =	ssyncset.done $0x0  }
0x69: {  	[sflag:s31] =	ssyncadd.s32 $0xFFFFE000  }
0x6a: {  	_ =	swait.ge [sflag:s2], $0x2000  }
0x6b: {  	[sflag:s2] =	ssyncset.done $0x0  }
0x6c: {  	[sflag:s2] =	ssyncadd.s32 $0xFFFFE000  }
0x6d: {  	_ =	swait.ge [sflag:s0], $0x2000  }
0x6e: {  	[sflag:s0] =	ssyncset.done $0x0  }
0x6f: {  	s11 =	sadd.s32 $0x1, s11;
	[sflag:s0] =	ssyncadd.s32 $0xFFFFE000  }
0x70: {  	p0 =	sne.s32 s11, s6;
	_ =	swait.ge [sflag:s9], $0x2000  }
.Ltmp1:
0x71: {  	[sflag:s9] =	ssyncset.done $0x0;
	(pc) =	sbr.rel @p0 .LBB2_1-.Ltmp1, $4  }
0x72: {  	[sflag:s9] =	ssyncadd.s32 $0xFFFFE000  }
0x73: {  	_ =	swait.ge [sflag:s10], $0x2000  }
0x74: {  	[sflag:s10] =	ssyncset.done $0x0  }
0x75: {  	[sflag:s10] =	ssyncadd.s32 $0xFFFFE000  }
0x76: {  	_ =	sfence.sel $0x180000  }
0x77: {  	[bflag:$0x0] =	sbarrier.arrive $0xFFFF  }
0x78: {  	_ =	strace $0x90000047  }
0x79: {  	s0 =	stileid.u32;
	[bflag:$0x2] =	sbarrier.arrive $0xFFFF  }
0x7a: {  	p0 =	sne.s32 s0, $0x0;
	s0 =	rddreg [dreg:$0x3]  }
0x7b: {  	s0 =	sadd.s32 @!p0 $0x100000, s0  }
0x7c: {  	[sflag:s0] =	ssyncadd.tile.s32 @!p0 $0x1;
	_ =	shalt  }
.Lfunc_end2:
_tile_overlayer_lowered:
.L_overlay_start_2:
0x7d: {  	(tag) =	ssettag $0x2  }
0x7e: {  	s0 =	rddreg [dreg:$0x0];
	s2 =	stileid.u32  }
0x7f: {  	s1 =	rddreg [dreg:$0x1];
	p0 =	sne.s32 s2, $0x0  }
0x80: {  	s3 =	rddreg [dreg:$0x2];
	[bflag:$0x3] =	sbarrier.arrive $0xFFFF;
	s2 =	simm.s32 @!p0 $0x1C15  }
0x81: {  	[timem:s3], [sflag:s2] =	dma.local @!p0 [hbm:s0], s1  }
0x82: {  	s0 =	simm.s32 @!p0 $0x15  }
0x83: {  	_ =	swait.ge @!p0 [sflag:s0], s1  }
0x84: {  	s1 =	ssub.s32 @!p0 $0x0, s1;
	[sflag:s0] =	ssyncset.done @!p0 $0x0  }
0x85: {  	[sflag:s0] =	ssyncadd.s32 @!p0 s1  }
0x86: {  	[bflag:$0x3] =	sbarrier.arrive $0xFFFF  }
0x87: {  	_ =	shalt  }

</sc_bundles>
